<compile_context>
chip_gen: v7x
topology: tpu7x:2x2x1
jax: 0.10.2.dev20260603
libtpu: 0.0.44.dev20260713+nightly
codegen_flags: <defaults>
</compile_context>

<pallas_src>
import functools

import jax
import jax.numpy as jnp
from jax import lax
from jax.experimental import pallas as pl
from jax.experimental.pallas import tpu as pltpu
from jax.experimental.pallas import tpu_sc as plsc

VOCAB = 100000
K = 4
DIM = 2
N = 16384
ROW_W = K * DIM
ROW_B = K
PLANES = 2 * ROW_W + 2 * ROW_B

LANES = 16
HALF = N // 2
NVEC = HALF // LANES
OUTR = NVEC

_mesh = plsc.VectorSubcoreMesh(core_axis_name="c", subcore_axis_name="s")


@functools.partial(
    pl.kernel,
    mesh=_mesh,
    out_type=(
        jax.ShapeDtypeStruct((ROW_W, 2, OUTR, LANES), jnp.float32),
        jax.ShapeDtypeStruct((ROW_B, 2, OUTR, LANES), jnp.float32),
        jax.ShapeDtypeStruct((ROW_W, 2, OUTR, LANES), jnp.float32),
        jax.ShapeDtypeStruct((ROW_B, 2, OUTR, LANES), jnp.float32),
    ),
    scratch_types=[
        pltpu.VMEM((VOCAB,), jnp.float32),
        pltpu.VMEM((HALF,), jnp.int32),
        pltpu.VMEM((OUTR, LANES), jnp.float32),
        pltpu.VMEM((OUTR, LANES), jnp.float32),
        pltpu.SemaphoreType.DMA,
        pltpu.SemaphoreType.DMA,
    ],
    compiler_params=pltpu.CompilerParams(
        use_tc_tiling_on_sc=False, needs_layout_passes=False),
)
def _fire_word_gather(ranks_hbm, fw_hbm, fb_hbm, mx_hbm, mm_hbm,
                      ofw_hbm, ofb_hbm, omx_hbm, omm_hbm,
                      plane_v, idx_v, out0_v, out1_v, psem, osem):
    wid = lax.axis_index("s") * 2 + lax.axis_index("c")

    tables = (
        (fw_hbm, ofw_hbm, 0, ROW_W),
        (mx_hbm, omx_hbm, ROW_W, ROW_W),
        (fb_hbm, ofb_hbm, 2 * ROW_W, ROW_B),
        (mm_hbm, omm_hbm, 2 * ROW_W + ROW_B, ROW_B),
    )

    def gather_half(out_v):
        @plsc.parallel_loop(0, NVEC, unroll=16)
        def body(g):
            iv = idx_v[pl.ds(g * LANES, LANES)]
            out_v.at[g][...] = plsc.load_gather(plane_v, [iv])

    def for_each_table(issue):
        for tab_hbm, out_hbm, base, nplanes in tables:
            @pl.when((wid >= base) & (wid < base + nplanes))
            def _():
                issue(tab_hbm, out_hbm, wid - base)

    for_each_table(
        lambda tab, out, c: pltpu.async_copy(tab.at[c], plane_v, psem))

    @pl.when(wid < PLANES)
    def _():
        pltpu.sync_copy(ranks_hbm.at[pl.ds(0, HALF)], idx_v)
        pltpu.make_async_copy(fw_hbm.at[0], plane_v, psem).wait()
        gather_half(out0_v)

    for_each_table(
        lambda tab, out, c: pltpu.async_copy(out0_v, out.at[c, 0], osem))

    @pl.when(wid < PLANES)
    def _():
        pltpu.sync_copy(ranks_hbm.at[pl.ds(HALF, HALF)], idx_v)
        gather_half(out1_v)

    for_each_table(
        lambda tab, out, c: pltpu.async_copy(out1_v, out.at[c, 1], osem))

    @pl.when(wid < PLANES)
    def _():
        pltpu.make_async_copy(ofw_hbm.at[0, 0], out0_v, osem).wait()
        pltpu.make_async_copy(ofw_hbm.at[0, 1], out1_v, osem).wait()


def kernel(ranks, func_w, func_b, meas_x, meas_m):
    fw_t = func_w.transpose(1, 2, 0).reshape(ROW_W, VOCAB)
    mx_t = meas_x.transpose(1, 2, 0).reshape(ROW_W, VOCAB)
    fb_t = func_b.transpose(1, 0)
    mm_t = meas_m.transpose(1, 0)
    idx = ranks.astype(jnp.int32)
    fw, fb, mx, mm = _fire_word_gather(idx, fw_t, fb_t, mx_t, mm_t)
    fw = fw.reshape(K, DIM, N).transpose(2, 0, 1)
    mx = mx.reshape(K, DIM, N).transpose(2, 0, 1)
    fb = fb.reshape(K, N).transpose(1, 0)
    mm = mm.reshape(K, N).transpose(1, 0)
    return fw, fb, mx, mm

# --- scband reference (transcript-rebuilt; emitter-appended) ---
"""Pipeline reference for scband-fire-word-14173392077167 (READ-ONLY COPY).

The authoritative reference and input builder live on the scoring server;
editing this copy changes nothing except your own understanding.
"""

import jax, jax.numpy as jnp
import numpy as np

# FireWord forward(ranks): gathers the per-word functional parameters and
# per-word measure (DiracMixture) parameters at the given ranks, returning a
# FireTensor (a stacked slice of funcs and measures). The learned state is:
#   funcs:    restacked func_template over vocab -> per-word params
#             (planar-flow style: weights [V, K, DIM] and biases [V, K])
#   measures: restacked DiracMixture over vocab -> locations x [V, K, DIM]
#             and masses m [V, K]
# The forward pass itself is a pure parameter-table gather (embedding lookup).

VOCAB = 100000   # len(vocab)
K = 4            # number of components in func/measure templates ($4)
DIM = 2          # config.dim
N = 16384        # number of ranks looked up (skipgram batch)


def setup_inputs(seed: int = 0) -> dict:
    key = jax.random.key(seed)
    k1, k2, k3, k4, k5 = jax.random.split(key, 5)
    ranks = jax.random.randint(k1, (N,), 0, VOCAB, dtype=jnp.int64)
    # learned parameters (restacked templates over the vocab)
    func_w = jax.random.normal(k2, (VOCAB, K, DIM), dtype=jnp.float32) * 0.1
    func_b = jax.random.normal(k3, (VOCAB, K), dtype=jnp.float32) * 0.1
    meas_x = jax.random.normal(k4, (VOCAB, K, DIM), dtype=jnp.float32)
    meas_m = jax.random.uniform(k5, (VOCAB, K), dtype=jnp.float32)
    return {"ranks": ranks, "func_w": func_w, "func_b": func_b,
            "meas_x": meas_x, "meas_m": meas_m}


def reference(ranks, func_w, func_b, meas_x, meas_m):
    # FireTensor(funcs=self.funcs[ranks], measures=self.measures[ranks])
    # StackingSlicing.__getitem__ slices every stacked parameter along axis 0.
    fw = jnp.take(func_w, ranks, axis=0)   # (N, K, DIM)
    fb = jnp.take(func_b, ranks, axis=0)   # (N, K)
    mx = jnp.take(meas_x, ranks, axis=0)   # (N, K, DIM)
    mm = jnp.take(meas_m, ranks, axis=0)   # (N, K)
    return (fw, fb, mx, mm)

if __name__ == "__main__":
    import jax
    _d = setup_inputs()
    print(jax.jit(kernel)(*tuple(_d.values())))

</pallas_src>

<mosaic_0001>
#map = affine_map<(d0, d1) -> (0)>
#map1 = affine_map<(d0, d1) -> (0, 0)>
#map2 = affine_map<(d0, d1) -> (0, 0, 0, 0)>
module attributes {stable_mosaic.version = 14 : i64} {
  func.func @_fire_word_gather(%arg0: i32, %arg1: i32, %arg2: memref<16384xi32, #tpu.memory_space<hbm>>, %arg3: memref<8x100000xf32, #tpu.memory_space<hbm>>, %arg4: memref<4x100000xf32, #tpu.memory_space<hbm>>, %arg5: memref<8x100000xf32, #tpu.memory_space<hbm>>, %arg6: memref<4x100000xf32, #tpu.memory_space<hbm>>, %arg7: memref<8x2x512x16xf32, #tpu.memory_space<hbm>>, %arg8: memref<4x2x512x16xf32, #tpu.memory_space<hbm>>, %arg9: memref<8x2x512x16xf32, #tpu.memory_space<hbm>>, %arg10: memref<4x2x512x16xf32, #tpu.memory_space<hbm>>, %arg11: memref<100000xf32, #tpu.memory_space<vmem>>, %arg12: memref<8192xi32, #tpu.memory_space<vmem>>, %arg13: memref<512x16xf32, #tpu.memory_space<vmem>>, %arg14: memref<512x16xf32, #tpu.memory_space<vmem>>, %arg15: memref<!tpu.dma_semaphore, #tpu.memory_space<semaphore_mem>>, %arg16: memref<!tpu.dma_semaphore, #tpu.memory_space<semaphore_mem>>) attributes {dimension_semantics = [#tpu.dimension_semantics<core_parallel>, #tpu.dimension_semantics<subcore_parallel>], iteration_bounds = array<i64: 2, 16>, scalar_prefetch = 0 : i64, scratch_operands = 6 : i64, tpu.core_type = #tpu.core_type<sc_vector_subcore>, window_params = [{transform_indices = #map}, {transform_indices = #map1}, {transform_indices = #map1}, {transform_indices = #map1}, {transform_indices = #map1}, {transform_indices = #map2}, {transform_indices = #map2}, {transform_indices = #map2}, {transform_indices = #map2}]} {
    %mul3A = arith.constant 2 : i32
    %mul3A_0 = arith.muli %arg1, %mul3A : i32
    %add3A = arith.addi %mul3A_0, %arg0 : i32
    %ge3A = arith.constant 0 : i32
    %ge3A_1 = arith.cmpi sge, %add3A, %ge3A : i32
    %lt3A = arith.constant 8 : i32
    %lt3A_2 = arith.cmpi slt, %add3A, %lt3A : i32
    %and3A = arith.andi %ge3A_1, %lt3A_2 : i1
    %convert_element_type3A = arith.extui %and3A : i1 to i32
    %cond3A = arith.constant 0 : i32
    %cond3A_3 = arith.cmpi ne, %convert_element_type3A, %cond3A : i32
    scf.if %cond3A_3 {
      %sub3A = arith.constant 0 : i32
      %sub3A_107 = arith.subi %add3A, %sub3A : i32
      %dma_start3A = arith.constant 0 : i32
      %dma_start3A_108 = tpu.memref_slice %arg3[%sub3A_107, %dma_start3A] : memref<8x100000xf32, #tpu.memory_space<hbm>> -> memref<1x100000xf32, #tpu.memory_space<hbm>>
      %dma_start3A_109 = tpu.memref_squeeze %dma_start3A_108 : memref<1x100000xf32, #tpu.memory_space<hbm>> -> memref<100000xf32, #tpu.memory_space<hbm>>
      %dma_start3A_110 = arith.constant 0 : i32
      %dma_start3A_111 = tpu.memref_slice %arg3[%sub3A_107, %dma_start3A_110] : memref<8x100000xf32, #tpu.memory_space<hbm>> -> memref<1x100000xf32, #tpu.memory_space<hbm>>
      %dma_start3A_112 = tpu.memref_squeeze %dma_start3A_111 : memref<1x100000xf32, #tpu.memory_space<hbm>> -> memref<100000xf32, #tpu.memory_space<hbm>>
      tpu.enqueue_dma source(%dma_start3A_112 : memref<100000xf32, #tpu.memory_space<hbm>>) target(%arg11 : memref<100000xf32, #tpu.memory_space<vmem>>) target_semaphore(%arg15 : memref<!tpu.dma_semaphore, #tpu.memory_space<semaphore_mem>>)
    } else {
    }
    %ge3A_4 = arith.constant 8 : i32
    %ge3A_5 = arith.cmpi sge, %add3A, %ge3A_4 : i32
    %lt3A_6 = arith.constant 16 : i32
    %lt3A_7 = arith.cmpi slt, %add3A, %lt3A_6 : i32
    %and3A_8 = arith.andi %ge3A_5, %lt3A_7 : i1
    %convert_element_type3A_9 = arith.extui %and3A_8 : i1 to i32
    %cond3A_10 = arith.constant 0 : i32
    %cond3A_11 = arith.cmpi ne, %convert_element_type3A_9, %cond3A_10 : i32
    scf.if %cond3A_11 {
      %sub3A = arith.constant 8 : i32
      %sub3A_107 = arith.subi %add3A, %sub3A : i32
      %dma_start3A = arith.constant 0 : i32
      %dma_start3A_108 = tpu.memref_slice %arg5[%sub3A_107, %dma_start3A] : memref<8x100000xf32, #tpu.memory_space<hbm>> -> memref<1x100000xf32, #tpu.memory_space<hbm>>
      %dma_start3A_109 = tpu.memref_squeeze %dma_start3A_108 : memref<1x100000xf32, #tpu.memory_space<hbm>> -> memref<100000xf32, #tpu.memory_space<hbm>>
      %dma_start3A_110 = arith.constant 0 : i32
      %dma_start3A_111 = tpu.memref_slice %arg5[%sub3A_107, %dma_start3A_110] : memref<8x100000xf32, #tpu.memory_space<hbm>> -> memref<1x100000xf32, #tpu.memory_space<hbm>>
      %dma_start3A_112 = tpu.memref_squeeze %dma_start3A_111 : memref<1x100000xf32, #tpu.memory_space<hbm>> -> memref<100000xf32, #tpu.memory_space<hbm>>
      tpu.enqueue_dma source(%dma_start3A_112 : memref<100000xf32, #tpu.memory_space<hbm>>) target(%arg11 : memref<100000xf32, #tpu.memory_space<vmem>>) target_semaphore(%arg15 : memref<!tpu.dma_semaphore, #tpu.memory_space<semaphore_mem>>)
    } else {
    }
    %ge3A_12 = arith.constant 16 : i32
    %ge3A_13 = arith.cmpi sge, %add3A, %ge3A_12 : i32
    %lt3A_14 = arith.constant 20 : i32
    %lt3A_15 = arith.cmpi slt, %add3A, %lt3A_14 : i32
    %and3A_16 = arith.andi %ge3A_13, %lt3A_15 : i1
    %convert_element_type3A_17 = arith.extui %and3A_16 : i1 to i32
    %cond3A_18 = arith.constant 0 : i32
    %cond3A_19 = arith.cmpi ne, %convert_element_type3A_17, %cond3A_18 : i32
    scf.if %cond3A_19 {
      %sub3A = arith.constant 16 : i32
      %sub3A_107 = arith.subi %add3A, %sub3A : i32
      %dma_start3A = arith.constant 0 : i32
      %dma_start3A_108 = tpu.memref_slice %arg4[%sub3A_107, %dma_start3A] : memref<4x100000xf32, #tpu.memory_space<hbm>> -> memref<1x100000xf32, #tpu.memory_space<hbm>>
      %dma_start3A_109 = tpu.memref_squeeze %dma_start3A_108 : memref<1x100000xf32, #tpu.memory_space<hbm>> -> memref<100000xf32, #tpu.memory_space<hbm>>
      %dma_start3A_110 = arith.constant 0 : i32
      %dma_start3A_111 = tpu.memref_slice %arg4[%sub3A_107, %dma_start3A_110] : memref<4x100000xf32, #tpu.memory_space<hbm>> -> memref<1x100000xf32, #tpu.memory_space<hbm>>
      %dma_start3A_112 = tpu.memref_squeeze %dma_start3A_111 : memref<1x100000xf32, #tpu.memory_space<hbm>> -> memref<100000xf32, #tpu.memory_space<hbm>>
      tpu.enqueue_dma source(%dma_start3A_112 : memref<100000xf32, #tpu.memory_space<hbm>>) target(%arg11 : memref<100000xf32, #tpu.memory_space<vmem>>) target_semaphore(%arg15 : memref<!tpu.dma_semaphore, #tpu.memory_space<semaphore_mem>>)
    } else {
    }
    %ge3A_20 = arith.constant 20 : i32
    %ge3A_21 = arith.cmpi sge, %add3A, %ge3A_20 : i32
    %lt3A_22 = arith.constant 24 : i32
    %lt3A_23 = arith.cmpi slt, %add3A, %lt3A_22 : i32
    %and3A_24 = arith.andi %ge3A_21, %lt3A_23 : i1
    %convert_element_type3A_25 = arith.extui %and3A_24 : i1 to i32
    %cond3A_26 = arith.constant 0 : i32
    %cond3A_27 = arith.cmpi ne, %convert_element_type3A_25, %cond3A_26 : i32
    scf.if %cond3A_27 {
      %sub3A = arith.constant 20 : i32
      %sub3A_107 = arith.subi %add3A, %sub3A : i32
      %dma_start3A = arith.constant 0 : i32
      %dma_start3A_108 = tpu.memref_slice %arg6[%sub3A_107, %dma_start3A] : memref<4x100000xf32, #tpu.memory_space<hbm>> -> memref<1x100000xf32, #tpu.memory_space<hbm>>
      %dma_start3A_109 = tpu.memref_squeeze %dma_start3A_108 : memref<1x100000xf32, #tpu.memory_space<hbm>> -> memref<100000xf32, #tpu.memory_space<hbm>>
      %dma_start3A_110 = arith.constant 0 : i32
      %dma_start3A_111 = tpu.memref_slice %arg6[%sub3A_107, %dma_start3A_110] : memref<4x100000xf32, #tpu.memory_space<hbm>> -> memref<1x100000xf32, #tpu.memory_space<hbm>>
      %dma_start3A_112 = tpu.memref_squeeze %dma_start3A_111 : memref<1x100000xf32, #tpu.memory_space<hbm>> -> memref<100000xf32, #tpu.memory_space<hbm>>
      tpu.enqueue_dma source(%dma_start3A_112 : memref<100000xf32, #tpu.memory_space<hbm>>) target(%arg11 : memref<100000xf32, #tpu.memory_space<vmem>>) target_semaphore(%arg15 : memref<!tpu.dma_semaphore, #tpu.memory_space<semaphore_mem>>)
    } else {
    }
    %lt3A_28 = arith.constant 24 : i32
    %lt3A_29 = arith.cmpi slt, %add3A, %lt3A_28 : i32
    %convert_element_type3A_30 = arith.extui %lt3A_29 : i1 to i32
    %cond3A_31 = arith.constant 0 : i32
    %cond3A_32 = arith.cmpi ne, %convert_element_type3A_30, %cond3A_31 : i32
    scf.if %cond3A_32 {
      "tpu.region"() ({
        %run_scoped3A = tpu.sem_alloc : memref<!tpu.dma_semaphore, #tpu.memory_space<semaphore_mem>>
        %dma_start3A = arith.constant 0 : i32
        %dma_start3A_115 = tpu.memref_slice %arg2[%dma_start3A] : memref<16384xi32, #tpu.memory_space<hbm>> -> memref<8192xi32, #tpu.memory_space<hbm>>
        %dma_start3A_116 = arith.constant 0 : i32
        %dma_start3A_117 = tpu.memref_slice %arg2[%dma_start3A_116] : memref<16384xi32, #tpu.memory_space<hbm>> -> memref<8192xi32, #tpu.memory_space<hbm>>
        tpu.enqueue_dma source(%dma_start3A_117 : memref<8192xi32, #tpu.memory_space<hbm>>) target(%arg12 : memref<8192xi32, #tpu.memory_space<vmem>>) target_semaphore(%run_scoped3A : memref<!tpu.dma_semaphore, #tpu.memory_space<semaphore_mem>>)
        %dma_wait3A_118 = arith.constant 0 : i32
        %dma_wait3A_119 = tpu.memref_slice %arg2[%dma_wait3A_118] : memref<16384xi32, #tpu.memory_space<hbm>> -> memref<8192xi32, #tpu.memory_space<hbm>>
        %dma_wait3A_120 = arith.constant 0 : i32
        %dma_wait3A_121 = tpu.memref_slice %arg2[%dma_wait3A_120] : memref<16384xi32, #tpu.memory_space<hbm>> -> memref<8192xi32, #tpu.memory_space<hbm>>
        tpu.wait_dma2 semaphore(%run_scoped3A : memref<!tpu.dma_semaphore, #tpu.memory_space<semaphore_mem>>) src(%dma_wait3A_121 : memref<8192xi32, #tpu.memory_space<hbm>>) dst(%arg12 : memref<8192xi32, #tpu.memory_space<vmem>>)
        tpu.yield
      }) : () -> ()
      %dma_wait3A = arith.constant 0 : i32
      %dma_wait3A_107 = arith.constant 0 : i32
      %dma_wait3A_108 = tpu.memref_slice %arg3[%dma_wait3A, %dma_wait3A_107] : memref<8x100000xf32, #tpu.memory_space<hbm>> -> memref<1x100000xf32, #tpu.memory_space<hbm>>
      %dma_wait3A_109 = tpu.memref_squeeze %dma_wait3A_108 : memref<1x100000xf32, #tpu.memory_space<hbm>> -> memref<100000xf32, #tpu.memory_space<hbm>>
      %dma_wait3A_110 = arith.constant 0 : i32
      %dma_wait3A_111 = tpu.memref_slice %arg3[%dma_wait3A, %dma_wait3A_110] : memref<8x100000xf32, #tpu.memory_space<hbm>> -> memref<1x100000xf32, #tpu.memory_space<hbm>>
      %dma_wait3A_112 = tpu.memref_squeeze %dma_wait3A_111 : memref<1x100000xf32, #tpu.memory_space<hbm>> -> memref<100000xf32, #tpu.memory_space<hbm>>
      tpu.wait_dma2 semaphore(%arg15 : memref<!tpu.dma_semaphore, #tpu.memory_space<semaphore_mem>>) src(%dma_wait3A_112 : memref<100000xf32, #tpu.memory_space<hbm>>) dst(%arg11 : memref<100000xf32, #tpu.memory_space<vmem>>)
      %parallel_loop3A = arith.constant 0 : i32
      %parallel_loop3A_113 = arith.constant 512 : i32
      %parallel_loop3A_114 = arith.constant 1 : i32
      scf.for %parallel_loop3A_115 = %parallel_loop3A to %parallel_loop3A_113 step %parallel_loop3A_114  : i32 {
        %parallel_loop3A_116 = arith.constant 16 : i32
        %parallel_loop3A_117 = arith.muli %parallel_loop3A_115, %parallel_loop3A_116 : i32
        %parallel_loop3A_118 = arith.index_cast %parallel_loop3A_117 : i32 to index
        %parallel_loop3A_119 = tpu.vector_load %arg12[%parallel_loop3A_118] {strides = array<i32>} : memref<8192xi32, #tpu.memory_space<vmem>>, vector<16xi32>,
        %parallel_loop3A_120 = tpu.vector_load_idx %arg11[%parallel_loop3A_119] : memref<100000xf32, #tpu.memory_space<vmem>>[vector<16xi32>], vector<16xf32>,
        %parallel_loop3A_121 = arith.index_cast %parallel_loop3A_115 : i32 to index
        %parallel_loop3A_122 = arith.constant 0 : index
        %parallel_loop3A_123 = tpu.vector_load %arg13[%parallel_loop3A_121, %parallel_loop3A_122] {strides = array<i32>} : memref<512x16xf32, #tpu.memory_space<vmem>>, vector<16xf32>,
        tpu.vector_store %arg13[%parallel_loop3A_121, %parallel_loop3A_122], %parallel_loop3A_120 {strides = array<i32>} : memref<512x16xf32, #tpu.memory_space<vmem>>, vector<16xf32>,
      } {sc.loop_unroll_factor = 16 : i64, sc.parallel_access}
    } else {
    }
    %ge3A_33 = arith.constant 0 : i32
    %ge3A_34 = arith.cmpi sge, %add3A, %ge3A_33 : i32
    %lt3A_35 = arith.constant 8 : i32
    %lt3A_36 = arith.cmpi slt, %add3A, %lt3A_35 : i32
    %and3A_37 = arith.andi %ge3A_34, %lt3A_36 : i1
    %convert_element_type3A_38 = arith.extui %and3A_37 : i1 to i32
    %cond3A_39 = arith.constant 0 : i32
    %cond3A_40 = arith.cmpi ne, %convert_element_type3A_38, %cond3A_39 : i32
    scf.if %cond3A_40 {
      %sub3A = arith.constant 0 : i32
      %sub3A_107 = arith.subi %add3A, %sub3A : i32
      %dma_start3A = arith.constant 0 : i32
      %dma_start3A_108 = arith.constant 0 : i32
      %dma_start3A_109 = arith.constant 0 : i32
      %dma_start3A_110 = tpu.memref_slice %arg7[%sub3A_107, %dma_start3A, %dma_start3A_108, %dma_start3A_109] : memref<8x2x512x16xf32, #tpu.memory_space<hbm>> -> memref<1x1x512x16xf32, #tpu.memory_space<hbm>>
      %dma_start3A_111 = tpu.memref_squeeze %dma_start3A_110 : memref<1x1x512x16xf32, #tpu.memory_space<hbm>> -> memref<512x16xf32, #tpu.memory_space<hbm>>
      %dma_start3A_112 = arith.constant 0 : i32
      %dma_start3A_113 = arith.constant 0 : i32
      %dma_start3A_114 = tpu.memref_slice %arg7[%sub3A_107, %dma_start3A, %dma_start3A_112, %dma_start3A_113] : memref<8x2x512x16xf32, #tpu.memory_space<hbm>> -> memref<1x1x512x16xf32, #tpu.memory_space<hbm>>
      %dma_start3A_115 = tpu.memref_squeeze %dma_start3A_114 : memref<1x1x512x16xf32, #tpu.memory_space<hbm>> -> memref<512x16xf32, #tpu.memory_space<hbm>>
      tpu.enqueue_dma source(%arg13 : memref<512x16xf32, #tpu.memory_space<vmem>>) target(%dma_start3A_115 : memref<512x16xf32, #tpu.memory_space<hbm>>) target_semaphore(%arg16 : memref<!tpu.dma_semaphore, #tpu.memory_space<semaphore_mem>>)
    } else {
    }
    %ge3A_41 = arith.constant 8 : i32
    %ge3A_42 = arith.cmpi sge, %add3A, %ge3A_41 : i32
    %lt3A_43 = arith.constant 16 : i32
    %lt3A_44 = arith.cmpi slt, %add3A, %lt3A_43 : i32
    %and3A_45 = arith.andi %ge3A_42, %lt3A_44 : i1
    %convert_element_type3A_46 = arith.extui %and3A_45 : i1 to i32
    %cond3A_47 = arith.constant 0 : i32
    %cond3A_48 = arith.cmpi ne, %convert_element_type3A_46, %cond3A_47 : i32
    scf.if %cond3A_48 {
      %sub3A = arith.constant 8 : i32
      %sub3A_107 = arith.subi %add3A, %sub3A : i32
      %dma_start3A = arith.constant 0 : i32
      %dma_start3A_108 = arith.constant 0 : i32
      %dma_start3A_109 = arith.constant 0 : i32
      %dma_start3A_110 = tpu.memref_slice %arg9[%sub3A_107, %dma_start3A, %dma_start3A_108, %dma_start3A_109] : memref<8x2x512x16xf32, #tpu.memory_space<hbm>> -> memref<1x1x512x16xf32, #tpu.memory_space<hbm>>
      %dma_start3A_111 = tpu.memref_squeeze %dma_start3A_110 : memref<1x1x512x16xf32, #tpu.memory_space<hbm>> -> memref<512x16xf32, #tpu.memory_space<hbm>>
      %dma_start3A_112 = arith.constant 0 : i32
      %dma_start3A_113 = arith.constant 0 : i32
      %dma_start3A_114 = tpu.memref_slice %arg9[%sub3A_107, %dma_start3A, %dma_start3A_112, %dma_start3A_113] : memref<8x2x512x16xf32, #tpu.memory_space<hbm>> -> memref<1x1x512x16xf32, #tpu.memory_space<hbm>>
      %dma_start3A_115 = tpu.memref_squeeze %dma_start3A_114 : memref<1x1x512x16xf32, #tpu.memory_space<hbm>> -> memref<512x16xf32, #tpu.memory_space<hbm>>
      tpu.enqueue_dma source(%arg13 : memref<512x16xf32, #tpu.memory_space<vmem>>) target(%dma_start3A_115 : memref<512x16xf32, #tpu.memory_space<hbm>>) target_semaphore(%arg16 : memref<!tpu.dma_semaphore, #tpu.memory_space<semaphore_mem>>)
    } else {
    }
    %ge3A_49 = arith.constant 16 : i32
    %ge3A_50 = arith.cmpi sge, %add3A, %ge3A_49 : i32
    %lt3A_51 = arith.constant 20 : i32
    %lt3A_52 = arith.cmpi slt, %add3A, %lt3A_51 : i32
    %and3A_53 = arith.andi %ge3A_50, %lt3A_52 : i1
    %convert_element_type3A_54 = arith.extui %and3A_53 : i1 to i32
    %cond3A_55 = arith.constant 0 : i32
    %cond3A_56 = arith.cmpi ne, %convert_element_type3A_54, %cond3A_55 : i32
    scf.if %cond3A_56 {
      %sub3A = arith.constant 16 : i32
      %sub3A_107 = arith.subi %add3A, %sub3A : i32
      %dma_start3A = arith.constant 0 : i32
      %dma_start3A_108 = arith.constant 0 : i32
      %dma_start3A_109 = arith.constant 0 : i32
      %dma_start3A_110 = tpu.memref_slice %arg8[%sub3A_107, %dma_start3A, %dma_start3A_108, %dma_start3A_109] : memref<4x2x512x16xf32, #tpu.memory_space<hbm>> -> memref<1x1x512x16xf32, #tpu.memory_space<hbm>>
      %dma_start3A_111 = tpu.memref_squeeze %dma_start3A_110 : memref<1x1x512x16xf32, #tpu.memory_space<hbm>> -> memref<512x16xf32, #tpu.memory_space<hbm>>
      %dma_start3A_112 = arith.constant 0 : i32
      %dma_start3A_113 = arith.constant 0 : i32
      %dma_start3A_114 = tpu.memref_slice %arg8[%sub3A_107, %dma_start3A, %dma_start3A_112, %dma_start3A_113] : memref<4x2x512x16xf32, #tpu.memory_space<hbm>> -> memref<1x1x512x16xf32, #tpu.memory_space<hbm>>
      %dma_start3A_115 = tpu.memref_squeeze %dma_start3A_114 : memref<1x1x512x16xf32, #tpu.memory_space<hbm>> -> memref<512x16xf32, #tpu.memory_space<hbm>>
      tpu.enqueue_dma source(%arg13 : memref<512x16xf32, #tpu.memory_space<vmem>>) target(%dma_start3A_115 : memref<512x16xf32, #tpu.memory_space<hbm>>) target_semaphore(%arg16 : memref<!tpu.dma_semaphore, #tpu.memory_space<semaphore_mem>>)
    } else {
    }
    %ge3A_57 = arith.constant 20 : i32
    %ge3A_58 = arith.cmpi sge, %add3A, %ge3A_57 : i32
    %lt3A_59 = arith.constant 24 : i32
    %lt3A_60 = arith.cmpi slt, %add3A, %lt3A_59 : i32
    %and3A_61 = arith.andi %ge3A_58, %lt3A_60 : i1
    %convert_element_type3A_62 = arith.extui %and3A_61 : i1 to i32
    %cond3A_63 = arith.constant 0 : i32
    %cond3A_64 = arith.cmpi ne, %convert_element_type3A_62, %cond3A_63 : i32
    scf.if %cond3A_64 {
      %sub3A = arith.constant 20 : i32
      %sub3A_107 = arith.subi %add3A, %sub3A : i32
      %dma_start3A = arith.constant 0 : i32
      %dma_start3A_108 = arith.constant 0 : i32
      %dma_start3A_109 = arith.constant 0 : i32
      %dma_start3A_110 = tpu.memref_slice %arg10[%sub3A_107, %dma_start3A, %dma_start3A_108, %dma_start3A_109] : memref<4x2x512x16xf32, #tpu.memory_space<hbm>> -> memref<1x1x512x16xf32, #tpu.memory_space<hbm>>
      %dma_start3A_111 = tpu.memref_squeeze %dma_start3A_110 : memref<1x1x512x16xf32, #tpu.memory_space<hbm>> -> memref<512x16xf32, #tpu.memory_space<hbm>>
      %dma_start3A_112 = arith.constant 0 : i32
      %dma_start3A_113 = arith.constant 0 : i32
      %dma_start3A_114 = tpu.memref_slice %arg10[%sub3A_107, %dma_start3A, %dma_start3A_112, %dma_start3A_113] : memref<4x2x512x16xf32, #tpu.memory_space<hbm>> -> memref<1x1x512x16xf32, #tpu.memory_space<hbm>>
      %dma_start3A_115 = tpu.memref_squeeze %dma_start3A_114 : memref<1x1x512x16xf32, #tpu.memory_space<hbm>> -> memref<512x16xf32, #tpu.memory_space<hbm>>
      tpu.enqueue_dma source(%arg13 : memref<512x16xf32, #tpu.memory_space<vmem>>) target(%dma_start3A_115 : memref<512x16xf32, #tpu.memory_space<hbm>>) target_semaphore(%arg16 : memref<!tpu.dma_semaphore, #tpu.memory_space<semaphore_mem>>)
    } else {
    }
    %lt3A_65 = arith.constant 24 : i32
    %lt3A_66 = arith.cmpi slt, %add3A, %lt3A_65 : i32
    %convert_element_type3A_67 = arith.extui %lt3A_66 : i1 to i32
    %cond3A_68 = arith.constant 0 : i32
    %cond3A_69 = arith.cmpi ne, %convert_element_type3A_67, %cond3A_68 : i32
    scf.if %cond3A_69 {
      "tpu.region"() ({
        %run_scoped3A = tpu.sem_alloc : memref<!tpu.dma_semaphore, #tpu.memory_space<semaphore_mem>>
        %dma_start3A = arith.constant 8192 : i32
        %dma_start3A_109 = tpu.memref_slice %arg2[%dma_start3A] : memref<16384xi32, #tpu.memory_space<hbm>> -> memref<8192xi32, #tpu.memory_space<hbm>>
        %dma_start3A_110 = arith.constant 8192 : i32
        %dma_start3A_111 = tpu.memref_slice %arg2[%dma_start3A_110] : memref<16384xi32, #tpu.memory_space<hbm>> -> memref<8192xi32, #tpu.memory_space<hbm>>
        tpu.enqueue_dma source(%dma_start3A_111 : memref<8192xi32, #tpu.memory_space<hbm>>) target(%arg12 : memref<8192xi32, #tpu.memory_space<vmem>>) target_semaphore(%run_scoped3A : memref<!tpu.dma_semaphore, #tpu.memory_space<semaphore_mem>>)
        %dma_wait3A = arith.constant 8192 : i32
        %dma_wait3A_112 = tpu.memref_slice %arg2[%dma_wait3A] : memref<16384xi32, #tpu.memory_space<hbm>> -> memref<8192xi32, #tpu.memory_space<hbm>>
        %dma_wait3A_113 = arith.constant 8192 : i32
        %dma_wait3A_114 = tpu.memref_slice %arg2[%dma_wait3A_113] : memref<16384xi32, #tpu.memory_space<hbm>> -> memref<8192xi32, #tpu.memory_space<hbm>>
        tpu.wait_dma2 semaphore(%run_scoped3A : memref<!tpu.dma_semaphore, #tpu.memory_space<semaphore_mem>>) src(%dma_wait3A_114 : memref<8192xi32, #tpu.memory_space<hbm>>) dst(%arg12 : memref<8192xi32, #tpu.memory_space<vmem>>)
        tpu.yield
      }) : () -> ()
      %parallel_loop3A = arith.constant 0 : i32
      %parallel_loop3A_107 = arith.constant 512 : i32
      %parallel_loop3A_108 = arith.constant 1 : i32
      scf.for %parallel_loop3A_109 = %parallel_loop3A to %parallel_loop3A_107 step %parallel_loop3A_108  : i32 {
        %parallel_loop3A_110 = arith.constant 16 : i32
        %parallel_loop3A_111 = arith.muli %parallel_loop3A_109, %parallel_loop3A_110 : i32
        %parallel_loop3A_112 = arith.index_cast %parallel_loop3A_111 : i32 to index
        %parallel_loop3A_113 = tpu.vector_load %arg12[%parallel_loop3A_112] {strides = array<i32>} : memref<8192xi32, #tpu.memory_space<vmem>>, vector<16xi32>,
        %parallel_loop3A_114 = tpu.vector_load_idx %arg11[%parallel_loop3A_113] : memref<100000xf32, #tpu.memory_space<vmem>>[vector<16xi32>], vector<16xf32>,
        %parallel_loop3A_115 = arith.index_cast %parallel_loop3A_109 : i32 to index
        %parallel_loop3A_116 = arith.constant 0 : index
        %parallel_loop3A_117 = tpu.vector_load %arg14[%parallel_loop3A_115, %parallel_loop3A_116] {strides = array<i32>} : memref<512x16xf32, #tpu.memory_space<vmem>>, vector<16xf32>,
        tpu.vector_store %arg14[%parallel_loop3A_115, %parallel_loop3A_116], %parallel_loop3A_114 {strides = array<i32>} : memref<512x16xf32, #tpu.memory_space<vmem>>, vector<16xf32>,
      } {sc.loop_unroll_factor = 16 : i64, sc.parallel_access}
    } else {
    }
    %ge3A_70 = arith.constant 0 : i32
    %ge3A_71 = arith.cmpi sge, %add3A, %ge3A_70 : i32
    %lt3A_72 = arith.constant 8 : i32
    %lt3A_73 = arith.cmpi slt, %add3A, %lt3A_72 : i32
    %and3A_74 = arith.andi %ge3A_71, %lt3A_73 : i1
    %convert_element_type3A_75 = arith.extui %and3A_74 : i1 to i32
    %cond3A_76 = arith.constant 0 : i32
    %cond3A_77 = arith.cmpi ne, %convert_element_type3A_75, %cond3A_76 : i32
    scf.if %cond3A_77 {
      %sub3A = arith.constant 0 : i32
      %sub3A_107 = arith.subi %add3A, %sub3A : i32
      %dma_start3A = arith.constant 1 : i32
      %dma_start3A_108 = arith.constant 0 : i32
      %dma_start3A_109 = arith.constant 0 : i32
      %dma_start3A_110 = tpu.memref_slice %arg7[%sub3A_107, %dma_start3A, %dma_start3A_108, %dma_start3A_109] : memref<8x2x512x16xf32, #tpu.memory_space<hbm>> -> memref<1x1x512x16xf32, #tpu.memory_space<hbm>>
      %dma_start3A_111 = tpu.memref_squeeze %dma_start3A_110 : memref<1x1x512x16xf32, #tpu.memory_space<hbm>> -> memref<512x16xf32, #tpu.memory_space<hbm>>
      %dma_start3A_112 = arith.constant 0 : i32
      %dma_start3A_113 = arith.constant 0 : i32
      %dma_start3A_114 = tpu.memref_slice %arg7[%sub3A_107, %dma_start3A, %dma_start3A_112, %dma_start3A_113] : memref<8x2x512x16xf32, #tpu.memory_space<hbm>> -> memref<1x1x512x16xf32, #tpu.memory_space<hbm>>
      %dma_start3A_115 = tpu.memref_squeeze %dma_start3A_114 : memref<1x1x512x16xf32, #tpu.memory_space<hbm>> -> memref<512x16xf32, #tpu.memory_space<hbm>>
      tpu.enqueue_dma source(%arg14 : memref<512x16xf32, #tpu.memory_space<vmem>>) target(%dma_start3A_115 : memref<512x16xf32, #tpu.memory_space<hbm>>) target_semaphore(%arg16 : memref<!tpu.dma_semaphore, #tpu.memory_space<semaphore_mem>>)
    } else {
    }
    %ge3A_78 = arith.constant 8 : i32
    %ge3A_79 = arith.cmpi sge, %add3A, %ge3A_78 : i32
    %lt3A_80 = arith.constant 16 : i32
    %lt3A_81 = arith.cmpi slt, %add3A, %lt3A_80 : i32
    %and3A_82 = arith.andi %ge3A_79, %lt3A_81 : i1
    %convert_element_type3A_83 = arith.extui %and3A_82 : i1 to i32
    %cond3A_84 = arith.constant 0 : i32
    %cond3A_85 = arith.cmpi ne, %convert_element_type3A_83, %cond3A_84 : i32
    scf.if %cond3A_85 {
      %sub3A = arith.constant 8 : i32
      %sub3A_107 = arith.subi %add3A, %sub3A : i32
      %dma_start3A = arith.constant 1 : i32
      %dma_start3A_108 = arith.constant 0 : i32
      %dma_start3A_109 = arith.constant 0 : i32
      %dma_start3A_110 = tpu.memref_slice %arg9[%sub3A_107, %dma_start3A, %dma_start3A_108, %dma_start3A_109] : memref<8x2x512x16xf32, #tpu.memory_space<hbm>> -> memref<1x1x512x16xf32, #tpu.memory_space<hbm>>
      %dma_start3A_111 = tpu.memref_squeeze %dma_start3A_110 : memref<1x1x512x16xf32, #tpu.memory_space<hbm>> -> memref<512x16xf32, #tpu.memory_space<hbm>>
      %dma_start3A_112 = arith.constant 0 : i32
      %dma_start3A_113 = arith.constant 0 : i32
      %dma_start3A_114 = tpu.memref_slice %arg9[%sub3A_107, %dma_start3A, %dma_start3A_112, %dma_start3A_113] : memref<8x2x512x16xf32, #tpu.memory_space<hbm>> -> memref<1x1x512x16xf32, #tpu.memory_space<hbm>>
      %dma_start3A_115 = tpu.memref_squeeze %dma_start3A_114 : memref<1x1x512x16xf32, #tpu.memory_space<hbm>> -> memref<512x16xf32, #tpu.memory_space<hbm>>
      tpu.enqueue_dma source(%arg14 : memref<512x16xf32, #tpu.memory_space<vmem>>) target(%dma_start3A_115 : memref<512x16xf32, #tpu.memory_space<hbm>>) target_semaphore(%arg16 : memref<!tpu.dma_semaphore, #tpu.memory_space<semaphore_mem>>)
    } else {
    }
    %ge3A_86 = arith.constant 16 : i32
    %ge3A_87 = arith.cmpi sge, %add3A, %ge3A_86 : i32
    %lt3A_88 = arith.constant 20 : i32
    %lt3A_89 = arith.cmpi slt, %add3A, %lt3A_88 : i32
    %and3A_90 = arith.andi %ge3A_87, %lt3A_89 : i1
    %convert_element_type3A_91 = arith.extui %and3A_90 : i1 to i32
    %cond3A_92 = arith.constant 0 : i32
    %cond3A_93 = arith.cmpi ne, %convert_element_type3A_91, %cond3A_92 : i32
    scf.if %cond3A_93 {
      %sub3A = arith.constant 16 : i32
      %sub3A_107 = arith.subi %add3A, %sub3A : i32
      %dma_start3A = arith.constant 1 : i32
      %dma_start3A_108 = arith.constant 0 : i32
      %dma_start3A_109 = arith.constant 0 : i32
      %dma_start3A_110 = tpu.memref_slice %arg8[%sub3A_107, %dma_start3A, %dma_start3A_108, %dma_start3A_109] : memref<4x2x512x16xf32, #tpu.memory_space<hbm>> -> memref<1x1x512x16xf32, #tpu.memory_space<hbm>>
      %dma_start3A_111 = tpu.memref_squeeze %dma_start3A_110 : memref<1x1x512x16xf32, #tpu.memory_space<hbm>> -> memref<512x16xf32, #tpu.memory_space<hbm>>
      %dma_start3A_112 = arith.constant 0 : i32
      %dma_start3A_113 = arith.constant 0 : i32
      %dma_start3A_114 = tpu.memref_slice %arg8[%sub3A_107, %dma_start3A, %dma_start3A_112, %dma_start3A_113] : memref<4x2x512x16xf32, #tpu.memory_space<hbm>> -> memref<1x1x512x16xf32, #tpu.memory_space<hbm>>
      %dma_start3A_115 = tpu.memref_squeeze %dma_start3A_114 : memref<1x1x512x16xf32, #tpu.memory_space<hbm>> -> memref<512x16xf32, #tpu.memory_space<hbm>>
      tpu.enqueue_dma source(%arg14 : memref<512x16xf32, #tpu.memory_space<vmem>>) target(%dma_start3A_115 : memref<512x16xf32, #tpu.memory_space<hbm>>) target_semaphore(%arg16 : memref<!tpu.dma_semaphore, #tpu.memory_space<semaphore_mem>>)
    } else {
    }
    %ge3A_94 = arith.constant 20 : i32
    %ge3A_95 = arith.cmpi sge, %add3A, %ge3A_94 : i32
    %lt3A_96 = arith.constant 24 : i32
    %lt3A_97 = arith.cmpi slt, %add3A, %lt3A_96 : i32
    %and3A_98 = arith.andi %ge3A_95, %lt3A_97 : i1
    %convert_element_type3A_99 = arith.extui %and3A_98 : i1 to i32
    %cond3A_100 = arith.constant 0 : i32
    %cond3A_101 = arith.cmpi ne, %convert_element_type3A_99, %cond3A_100 : i32
    scf.if %cond3A_101 {
      %sub3A = arith.constant 20 : i32
      %sub3A_107 = arith.subi %add3A, %sub3A : i32
      %dma_start3A = arith.constant 1 : i32
      %dma_start3A_108 = arith.constant 0 : i32
      %dma_start3A_109 = arith.constant 0 : i32
      %dma_start3A_110 = tpu.memref_slice %arg10[%sub3A_107, %dma_start3A, %dma_start3A_108, %dma_start3A_109] : memref<4x2x512x16xf32, #tpu.memory_space<hbm>> -> memref<1x1x512x16xf32, #tpu.memory_space<hbm>>
      %dma_start3A_111 = tpu.memref_squeeze %dma_start3A_110 : memref<1x1x512x16xf32, #tpu.memory_space<hbm>> -> memref<512x16xf32, #tpu.memory_space<hbm>>
      %dma_start3A_112 = arith.constant 0 : i32
      %dma_start3A_113 = arith.constant 0 : i32
      %dma_start3A_114 = tpu.memref_slice %arg10[%sub3A_107, %dma_start3A, %dma_start3A_112, %dma_start3A_113] : memref<4x2x512x16xf32, #tpu.memory_space<hbm>> -> memref<1x1x512x16xf32, #tpu.memory_space<hbm>>
      %dma_start3A_115 = tpu.memref_squeeze %dma_start3A_114 : memref<1x1x512x16xf32, #tpu.memory_space<hbm>> -> memref<512x16xf32, #tpu.memory_space<hbm>>
      tpu.enqueue_dma source(%arg14 : memref<512x16xf32, #tpu.memory_space<vmem>>) target(%dma_start3A_115 : memref<512x16xf32, #tpu.memory_space<hbm>>) target_semaphore(%arg16 : memref<!tpu.dma_semaphore, #tpu.memory_space<semaphore_mem>>)
    } else {
    }
    %lt3A_102 = arith.constant 24 : i32
    %lt3A_103 = arith.cmpi slt, %add3A, %lt3A_102 : i32
    %convert_element_type3A_104 = arith.extui %lt3A_103 : i1 to i32
    %cond3A_105 = arith.constant 0 : i32
    %cond3A_106 = arith.cmpi ne, %convert_element_type3A_104, %cond3A_105 : i32
    scf.if %cond3A_106 {
      %dma_wait3A = arith.constant 0 : i32
      %dma_wait3A_107 = arith.constant 0 : i32
      %dma_wait3A_108 = arith.constant 0 : i32
      %dma_wait3A_109 = arith.constant 0 : i32
      %dma_wait3A_110 = tpu.memref_slice %arg7[%dma_wait3A, %dma_wait3A_107, %dma_wait3A_108, %dma_wait3A_109] : memref<8x2x512x16xf32, #tpu.memory_space<hbm>> -> memref<1x1x512x16xf32, #tpu.memory_space<hbm>>
      %dma_wait3A_111 = tpu.memref_squeeze %dma_wait3A_110 : memref<1x1x512x16xf32, #tpu.memory_space<hbm>> -> memref<512x16xf32, #tpu.memory_space<hbm>>
      %dma_wait3A_112 = arith.constant 0 : i32
      %dma_wait3A_113 = arith.constant 0 : i32
      %dma_wait3A_114 = tpu.memref_slice %arg7[%dma_wait3A, %dma_wait3A_107, %dma_wait3A_112, %dma_wait3A_113] : memref<8x2x512x16xf32, #tpu.memory_space<hbm>> -> memref<1x1x512x16xf32, #tpu.memory_space<hbm>>
      %dma_wait3A_115 = tpu.memref_squeeze %dma_wait3A_114 : memref<1x1x512x16xf32, #tpu.memory_space<hbm>> -> memref<512x16xf32, #tpu.memory_space<hbm>>
      tpu.wait_dma2 semaphore(%arg16 : memref<!tpu.dma_semaphore, #tpu.memory_space<semaphore_mem>>) src(%dma_wait3A_115 : memref<512x16xf32, #tpu.memory_space<hbm>>) dst(%arg13 : memref<512x16xf32, #tpu.memory_space<vmem>>)
      %dma_wait3A_116 = arith.constant 0 : i32
      %dma_wait3A_117 = arith.constant 1 : i32
      %dma_wait3A_118 = arith.constant 0 : i32
      %dma_wait3A_119 = arith.constant 0 : i32
      %dma_wait3A_120 = tpu.memref_slice %arg7[%dma_wait3A_116, %dma_wait3A_117, %dma_wait3A_118, %dma_wait3A_119] : memref<8x2x512x16xf32, #tpu.memory_space<hbm>> -> memref<1x1x512x16xf32, #tpu.memory_space<hbm>>
      %dma_wait3A_121 = tpu.memref_squeeze %dma_wait3A_120 : memref<1x1x512x16xf32, #tpu.memory_space<hbm>> -> memref<512x16xf32, #tpu.memory_space<hbm>>
      %dma_wait3A_122 = arith.constant 0 : i32
      %dma_wait3A_123 = arith.constant 0 : i32
      %dma_wait3A_124 = tpu.memref_slice %arg7[%dma_wait3A_116, %dma_wait3A_117, %dma_wait3A_122, %dma_wait3A_123] : memref<8x2x512x16xf32, #tpu.memory_space<hbm>> -> memref<1x1x512x16xf32, #tpu.memory_space<hbm>>
      %dma_wait3A_125 = tpu.memref_squeeze %dma_wait3A_124 : memref<1x1x512x16xf32, #tpu.memory_space<hbm>> -> memref<512x16xf32, #tpu.memory_space<hbm>>
      tpu.wait_dma2 semaphore(%arg16 : memref<!tpu.dma_semaphore, #tpu.memory_space<semaphore_mem>>) src(%dma_wait3A_125 : memref<512x16xf32, #tpu.memory_space<hbm>>) dst(%arg14 : memref<512x16xf32, #tpu.memory_space<vmem>>)
    } else {
    }
    return
  }
}

</mosaic_0001>

<sc_bundles>
// kernel: kernel.3.cloned.1.call-start
scs
__scs_entry_jumppad:
0x0: {  	(pc) =	sbr.rel $0x88, $3  }
0x1: {  	(tag) =	ssettag $0x0;
	lr =	simm.s32 $0x1  }
0x2: {  	[smem:$0x3F9C] =	sst lr;
	_ =	strace $0xD0000000  }
0x3: {  	_ = 	snop  }
0x4: {  	_ = 	snop  }
0x5: {  	_ = 	snop  }
0x6: {  	_ = 	snop  }
0x7: {  	_ = 	snop  }
__scs_overlays_trampoline_lowered:
0x8: {  	[smem:$0x3FAB] =	sst s0  }
0x9: {  	[smem:$0x3FAC] =	sst s1  }
0xa: {  	[smem:$0x3FAD] =	sst s2  }
0xb: {  	[smem:$0x3FAE] =	sst s3  }
0xc: {  	[smem:$0x3FAF] =	sst s4  }
0xd: {  	[smem:$0x3FB0] =	sst s5  }
0xe: {  	[smem:$0x3FB1] =	sst s6  }
0xf: {  	[smem:$0x3FB2] =	sst s7  }
0x10: {  	[smem:$0x3FB3] =	sst s8  }
0x11: {  	[smem:$0x3FB4] =	sst s9;
	s0 =	simm.s32 @!p0 $0x0  }
0x12: {  	s1 =	sld [smem:$0x3F9A];
	s0 =	simm.s32 @p0 $0x1  }
0x13: {  	[smem:$0x3FB5] =	sst s0;
	s0 =	simm.s32 @!p1 $0x0  }
0x14: {  	s2 =	sld [smem:$0x3F99];
	s0 =	simm.s32 @p1 $0x1  }
0x15: {  	[smem:$0x3FB6] =	sst s0;
	s0 =	simm.s32 @!p2 $0x0  }
0x16: {  	s3 =	sld [smem:$0x3FDB];
	s0 =	simm.s32 @p2 $0x1  }
0x17: {  	s4 =	simm.s32 $0x1BF5;
	[smem:$0x3FB8] =	sst s0  }
0x18: {  	s0 =	sld [smem:$0x3F9B];
	_ =	swait.ge [sflag:s4], $0x0  }
0x19: {  	s7 =	sld [smem:$0x3F9C]  }
0x1a: {  	s8 =	sadd.s32 $0xFFFFE003, lr  }
0x1b: {  	s9 =	sadd.s32 $0xFFFFFEF7, lr;
	s5 =	simm.s32 $0xFFFFFFFF;
	p2 =	slt.u32 s8, $0xFFFFF086  }
0x1c: {  	p1 =	slt.u32 s9, $0xF7A;
	s5 =	simm.s32 @!p2 $0x0  }
0x1d: {  	s5 =	simm.s32 @p1 $0x1;
	p0 =	seq.s32 s7, s2  }
0x1e: {  	s7 =	smul.u32 @!p0 $0xF7A, s2;
	p2 =	seq.s32 @!p0 s5, $0x0  }
0x1f: {  	s9 =	smul.u32 $0xF7A, s1;
	s8 =	simm.s32 @!p0 $0x1BF5;
	p2 =	por !p2, p0  }
0x20: {  	[sflag:s8] =	ssyncset.s32 @!p0 $0xFFFFF086;
	s6 =	sadd.s32 @!p0 s3, s7;
	s7 =	simm.s32 @!p0 $0x108  }
0x21: {  	s3 =	sadd.s32 s3, s9;
	s6 =	sadd.s32 @!p0 $0x88, s6;
	s7 =	simm.s32 @p2 $0x1082  }
0x22: {  	[simem:s7], [sflag:s8] =	dma.local @!p0 [hbm:s6], $0xF7A  }
0x23: {  	s9 =	sor.u32 $0xD0000000, s2;
	s6 =	simm.s32 $0x108;
	_ =	swait.ge @!p0 [sflag:s8], $0x0  }
0x24: {  	s3 =	sadd.s32 $0x88, s3;
	s6 =	simm.s32 @!p1 $0x1082;
	[sflag:s4] =	ssyncset.s32 $0xFFFFF086  }
0x25: {  	[simem:s6], [sflag:s4] =	dma.local [hbm:s3], $0xF7A  }
0x26: {  	[smem:$0x3F9C] =	sst s1;
	(tag) =	ssettag s2;
	_ =	strace s9  }
0x27: {  	s1 =	sld [smem:$0x3FAC]  }
0x28: {  	s2 =	sld [smem:$0x3FAD]  }
0x29: {  	s4 =	sld [smem:$0x3FAF]  }
0x2a: {  	p0 =	seq.s32 s5, $0x0;
	s5 =	sld [smem:$0x3FB0]  }
0x2b: {  	s6 =	sld [smem:$0x3FB1]  }
0x2c: {  	s7 =	sld [smem:$0x3FB2]  }
0x2d: {  	s3 =	simm.s32 $0x108;
	s8 =	sld [smem:$0x3FB3]  }
0x2e: {  	s3 =	simm.s32 @!p0 $0x1082;
	s9 =	sld [smem:$0x3FB4]  }
0x2f: {  	lr =	sadd.s32 s0, s3;
	s0 =	sld [smem:$0x3FAB]  }
0x30: {  	s3 =	sld [smem:$0x3FAE]  }
0x31: {  	[smem:$0x3FB7] =	sst s10  }
0x32: {  	s10 =	sld [smem:$0x3FB5];
	_ =	sdelay $0x3  }
0x33: {  	p0 =	seq.s32 s10, $0x1;
	s10 =	sld [smem:$0x3FB7];
	_ =	sdelay $0x3  }
0x34: {  	[smem:$0x3FB7] =	sst s10  }
0x35: {  	s10 =	sld [smem:$0x3FB6];
	_ =	sdelay $0x3  }
0x36: {  	p1 =	seq.s32 s10, $0x1;
	s10 =	sld [smem:$0x3FB7];
	_ =	sdelay $0x3  }
0x37: {  	[smem:$0x3FB7] =	sst s10  }
0x38: {  	s10 =	sld [smem:$0x3FB8]  }
0x39: {  	_ = 	snop;
	(pc) =	sbr.ind lr, $3  }
0x3a: {  	_ = 	snop  }
0x3b: {  	_ = 	snop  }
0x3c: {  	p2 =	seq.s32 s10, $0x1;
	s10 =	sld [smem:$0x3FB7]  }
0x3d: {  	_ =	shalt  }
0x3e: {  	_ =	shalt  }
0x3f: {  	_ =	shalt  }
0x40: {  	_ =	shalt  }
0x41: {  	_ =	shalt  }
0x42: {  	_ =	shalt  }
0x43: {  	_ =	shalt  }
0x44: {  	_ =	shalt  }
0x45: {  	_ =	shalt  }
0x46: {  	_ =	shalt  }
0x47: {  	_ =	shalt  }
0x48: {  	_ =	shalt  }
0x49: {  	_ =	shalt  }
0x4a: {  	_ =	shalt  }
0x4b: {  	_ =	shalt  }
0x4c: {  	_ =	shalt  }
0x4d: {  	_ =	shalt  }
0x4e: {  	_ =	shalt  }
0x4f: {  	_ =	shalt  }
0x50: {  	_ =	shalt  }
0x51: {  	_ =	shalt  }
0x52: {  	_ =	shalt  }
0x53: {  	_ =	shalt  }
0x54: {  	_ =	shalt  }
0x55: {  	_ =	shalt  }
0x56: {  	_ =	shalt  }
0x57: {  	_ =	shalt  }
0x58: {  	_ =	shalt  }
0x59: {  	_ =	shalt  }
0x5a: {  	_ =	shalt  }
0x5b: {  	_ =	shalt  }
0x5c: {  	_ =	shalt  }
0x5d: {  	_ =	shalt  }
0x5e: {  	_ =	shalt  }
0x5f: {  	_ =	shalt  }
0x60: {  	_ =	shalt  }
0x61: {  	_ =	shalt  }
0x62: {  	_ =	shalt  }
0x63: {  	_ =	shalt  }
0x64: {  	_ =	shalt  }
0x65: {  	_ =	shalt  }
0x66: {  	_ =	shalt  }
0x67: {  	_ =	shalt  }
0x68: {  	_ =	shalt  }
0x69: {  	_ =	shalt  }
0x6a: {  	_ =	shalt  }
0x6b: {  	_ =	shalt  }
0x6c: {  	_ =	shalt  }
0x6d: {  	_ =	shalt  }
0x6e: {  	_ =	shalt  }
0x6f: {  	_ =	shalt  }
0x70: {  	_ =	shalt  }
0x71: {  	_ =	shalt  }
0x72: {  	_ =	shalt  }
0x73: {  	_ =	shalt  }
0x74: {  	_ =	shalt  }
0x75: {  	_ =	shalt  }
0x76: {  	_ =	shalt  }
0x77: {  	_ =	shalt  }
0x78: {  	_ =	shalt  }
0x79: {  	_ =	shalt  }
0x7a: {  	_ =	shalt  }
0x7b: {  	_ =	shalt  }
0x7c: {  	_ =	shalt  }
0x7d: {  	_ =	shalt  }
0x7e: {  	_ =	shalt  }
0x7f: {  	_ =	shalt  }
0x80: {  	_ =	shalt  }
0x81: {  	_ =	shalt  }
0x82: {  	_ =	shalt  }
0x83: {  	_ =	shalt  }
0x84: {  	_ =	shalt  }
0x85: {  	_ =	shalt  }
0x86: {  	_ =	shalt  }
0x87: {  	_ =	shalt  }
.Lfunc_end0:
.L_simem_size_0:
called_computation_lowered:
.L_overlay_start_0:
0x88: {  	s2 =	sld [smem:$0x3FD9]  }
0x89: {  	s3 =	sld [smem:$0x3FFE];
	_ =	sdelay $0x1  }
0x8a: {  	s1 =	srdreg.scid  }
0x8b: {  	s0 =	sand.u32 $0x1, s1  }
0x8c: {  	s14 =	sshll.u32 s0, $0xA;
	s2 =	sadd.s32 s3, s2  }
0x8d: {  	s2 =	sadd.s32 s2, s14  }
0x8e: {  	[smem:$0x3FC3] =	sst s2  }
0x8f: {  	_ = 	snop  }
0x90: {  	s2 =	sld [smem:$0x3FD0];
	_ =	sdelay $0x2  }
0x91: {  	s4 =	simm.s32 $0xA;
	s5 =	simm.s32 $0x10;
	s15 =	sld [smem:$0x3FC9]  }
0x92: {  	[smem:s5], [sflag:s4] =	dma.local [hbm:s2], $0x1  }
0x93: {  	_ =	swait.eq [sflag:s4], $0x1  }
0x94: {  	[sflag:s4] =	ssyncset.done $0x0  }
0x95: {  	s16 =	sld [smem:$0x12];
	[sflag:s4] =	ssyncadd.s32 $0xFFFFFFFF  }
0x96: {  	s17 =	sld [smem:$0x13];
	(tm) =	ssettm $0x1  }
0x97: {  	s18 =	sld [smem:$0x3FFB];
	_ =	sdelay $0x3  }
0x98: {  	_ =	strace s18  }
0x99: {  	s5 =	sld [smem:$0x3FFC];
	_ =	sdelay $0x3  }
0x9a: {  	_ =	strace s5  }
0x9b: {  	s5 =	sld [smem:$0x3FFD];
	_ =	sdelay $0x3  }
0x9c: {  	_ =	strace s5  }
0x9d: {  	_ =	strace $0x8FFFFFFF  }
0x9e: {  	s19 =	sld [smem:$0x3FDB];
	_ =	sdelay $0x1  }
0x9f: {  	s6 =	simm.s32 $_scs_section_size  }
0xa0: {  	s7 =	simm.s32 $_size__tile_overlayer_lowered;
	s8 =	simm.s32 $_tile_overlayer_lowered  }
0xa1: {  	s22 =	simm.s32 $0x1BFF;
	s21 =	sshll.u32 s8, $0x1;
	s5 =	sadd.s32 s6, s19  }
0xa2: {  	s9 =	simm.s32 $0x0;
	s20 =	sshll.u32 s7, $0x1;
	s7 =	sadd.s32 s21, s5  }
0xa3: {  	[timem:s9], [sflag:s22] =	dma.local [hbm:s7], s20  }
0xa4: {  	_ =	swait.ge [sflag:s22], s20  }
0xa5: {  	s6 =	ssub.s32 $0x0, s20;
	[sflag:s22] =	ssyncset.done $0x0  }
0xa6: {  	[sflag:s22] =	ssyncadd.s32 s6;
	_ =	sdelay $0x1  }
0xa7: {  	s23 =	simm.s32 $0x1B8B  }
0xa8: {  	_ =	swait.ge [sflag:s23], $0x1  }
0xa9: {  	[sflag:s23] =	ssyncset.done $0x0  }
0xaa: {  	s25 =	simm.s32 $0x1B8E;
	s24 =	sld [smem:$0x3FFE];
	[sflag:s23] =	ssyncadd.s32 $0xFFFFFFFF  }
0xab: {  	s26 =	simm.s32 $execute0_lowered;
	[smem:$0x3FD2] =	sst s25  }
0xac: {  	s7 =	sshll.u32 s26, $0x1;
	_ =	strace $0x80000046;
	[dreg:$0x1] =	wrdreg $0xFFFFFFFF  }
0xad: {  	s28 =	simm.s32 $_size_execute0_lowered;
	s5 =	sadd.s32 s5, s7;
	[dreg:$0x0] =	wrdreg $0x0  }
0xae: {  	s7 =	sshll.u32 s28, $0x1;
	[dreg:$0x2] =	wrdreg s5  }
0xaf: {  	[dreg:$0x3] =	wrdreg s7  }
0xb0: {  	[dreg:$0x4] =	wrdreg $0xC0  }
0xb1: {  	_ =	task [dreg:s9], $0x5FFFF  }
0xb2: {  	[dreg:$0x1] =	wrdreg $0xFFFFFFFF  }
0xb3: {  	[dreg:$0x0] =	wrdreg $0x60  }
0xb4: {  	[dreg:$0x2] =	wrdreg s15  }
0xb5: {  	[dreg:$0x3] =	wrdreg s24  }
0xb6: {  	[dreg:$0x4] =	wrdreg s16  }
0xb7: {  	[dreg:$0x5] =	wrdreg s17  }
0xb8: {  	[dreg:$0x6] =	wrdreg $0x9  }
0xb9: {  	_ =	task.clear_ibuf [dreg:s9], $0x7FFFF;
	_ =	strace $0x90000046  }
0xba: {  	s29 =	simm.s32 $0x9;
	_ =	strace $0x80000048  }
0xbb: {  	_ =	swait.ge [sflag:s29], $0x1  }
0xbc: {  	[sflag:s29] =	ssyncadd.s32 $0xFFFFFFFF  }
0xbd: {  	_ =	strace $0x90000048  }
0xbe: {  	_ =	sfence  }
0xbf: {  	s30 =	sld [smem:$0x0];
	_ =	sdelay $0x2  }
0xc0: {  	s31 =	sshll.u32 s1, $0xD;
	s1 =	sshrl.u32 s1, $0x2  }
0xc1: {  	s3 =	sand.u32 $0x4000, s31;
	s1 =	sadd.s32 s1, s30  }
0xc2: {  	s0 =	sor.u32 s3, s0;
	s1 =	sshll.u32 s1, $0x11  }
0xc3: {  	s0 =	sor.u32 s1, s0  }
0xc4: {  	s0 =	sadd.s32 $0x8F2B, s0  }
0xc5: {  	[sflag:s0] =	ssyncadd.remote.s32 $0x1  }
0xc6: {  	_ =	sfence.sel $0xFFFF  }
0xc7: {  	[dreg:$0x0] =	wrdreg $0xFFFFFFFF;
	(pc) =	sbr.abs _section_cstart, $3  }
0xc8: {  	[dreg:$0x1] =	wrdreg $0xFFFFFFFF  }
0xc9: {  	_ =	task.clear_ibuf [dreg:s9], $0x2FFFF;
	_ =	strace $0x9FFFFFFF  }
0xca: {  	(tm) =	ssettm $0x7FFFFFFF  }
0xcb: {  	_ =	shalt  }
tec
execute0_lowered:
.L_overlay_start_1:
0x0: {  	(tag) =	ssettag $0x1  }
0x1: {  	s1 =	rddreg [dreg:$0x0]  }
0x2: {  	s4 =	rddreg [dreg:$0x1]  }
0x3: {  	s2 =	srdreg.scid;
	s8 =	rddreg [dreg:$0x2]  }
0x4: {  	s0 =	stileid.u32;
	s15 =	rddreg [dreg:$0x3]  }
0x5: {  	s3 =	simm.s32 $0x0;
	s5 =	sand.u32 $0x1, s2;
	s2 =	rddreg [dreg:$0x4]  }
0x6: {  	s23 =	sshll.u32 s0, $0x1;
	[smem:$0x7FF] =	sst s3  }
0x7: {  	s13 =	sadd.s32 $0x4C600, s4;
	s16 =	sadd.s32 $0x4A600, s4;
	s18 =	sand.u32 $0xC, s0  }
0x8: {  	s21 =	sand.u32 $0xE, s0;
	p0 =	sgt.u32 s0, $0x3;
	p3 =	slt.u32 s0, $0xC  }
0x9: {  	s7 =	sor.u32 s5, s23;
	_ =	strace $0x80000047;
	s5 =	ssub.s32 $0x2, s5  }
0xa: {  	p1 =	sne.s32 s18, $0x4;
	p2 =	seq.s32 s21, $0xA;
	s6 =	smul.u32 $0x186A0, s7  }
0xb: {  	s18 =	simm.s32 @!p3 $0x0;
	p4 =	sne.s32 s21, $0x8;
	s9 =	smul.u32 $0x30D4, s7  }
0xc: {  	s12 =	sshrl.u32 s5, $0x1;
	s24 =	sshll.u32 s7, $0xB;
	s14 =	sshll.u32 s7, $0xE  }
0xd: {  	s18 =	simm.s32 @p3 $0x1;
	p3 =	sgt.u32 s0, $0xB;
	s17 =	ssub.s32 s5, s12  }
0xe: {  	s8 =	sadd.s32 s8, s24;
	s25 =	sadd.s32 $0xFFFE0000, s14;
	s26 =	sadd.s32 $0xFFFC0000, s14  }
0xf: {  	s28 =	sadd.s32 $0xFFFB0000, s14;
	s19 =	sadd.s32 $0xFFFE2000, s14;
	s12 =	sadd.s32 $0x400, s1  }
0x10: {  	s20 =	sadd.s32 $0xFFFC2000, s14;
	s30 =	sadd.s32 $0xFFFB2000, s14;
	[smem:$0x7FC] =	sst s18  }
0x11: {  	s18 =	simm.s32 $0x186A0;
	s21 =	simm.s32 @!p3 $0x0;
	s10 =	sadd.s32 $0xFFE79600, s6  }
0x12: {  	s9 =	sadd.s32 s9, s4;
	s11 =	sadd.s32 $0xFFF3CB00, s6;
	s6 =	sadd.s32 $0xFFE17B80, s6  }
0x13: {  	s19 =	sshrl.u32 s19, $0x3;
	s29 =	sshrl.u32 s20, $0x3;
	s14 =	sadd.s32 $0x400, s8  }
0x14: {  	s31 =	sshrl.u32 s30, $0x3;
	s17 =	smax.u32 s17, $0x1;
	s20 =	simm.s32 $0x1  }
0x15: {  	s21 =	simm.s32 @p3 $0x1;
	s10 =	sshrl.u32 s10, $0x3;
	s11 =	sshrl.u32 s11, $0x3  }
0x16: {  	s6 =	sshrl.u32 s6, $0x3;
	[smem:$0x7FD] =	sst s21;
	s21 =	simm.s32 $0x0  }
0x17: {  	s10 =	sadd.s32 s10, s4;
	s11 =	sadd.s32 s11, s4;
	s6 =	sadd.s32 s6, s4  }
.Ltmp0:
0x18: {  	s4 =	sadd.s32 $0x19600, s9;
	s9 =	sshrl.u32 s25, $0x3;
	(pc) =	sbr.rel .LBB2_1-.Ltmp0, $4  }
0x19: {  	s5 =	sadd.s32 $0x31E00, s11;
	s6 =	sadd.s32 $0xD200, s6;
	s7 =	sadd.s32 $0xE00, s10  }
0x1a: {  	s9 =	sadd.s32 s13, s9;
	s10 =	sshrl.u32 s26, $0x3;
	s11 =	sshrl.u32 s28, $0x3  }
0x1b: {  	s13 =	sadd.s32 s13, s19;
	s19 =	simm.s32 $0x3;
	s10 =	sadd.s32 s15, s10  }
0x1c: {  	s11 =	sadd.s32 s16, s11;
	s15 =	sadd.s32 s15, s29;
	s16 =	sadd.s32 s16, s31  }
.LBB2_12:
0x1d: {  	[tilespmem:s25+$0x10] =	vst v0  }
0x1e: {  	[tilespmem:s25+$0x20] =	vst v1  }
0x1f: {  	[tilespmem:s25+$0x30] =	vst v2  }
0x20: {  	[tilespmem:s25+$0x40] =	vst v3  }
0x21: {  	[tilespmem:s25+$0x50] =	vst v4  }
0x22: {  	[tilespmem:s25+$0x60] =	vst v5  }
.LBB2_13:
0x23: {  	s25 =	simm.s32 @!p0 $0x0;
	s26 =	simm.s32 @!p0 $0x1C6A0  }
0x24: {  	[hbm4b:s14+s25] =	stream.linear.scatter @!p0 [tilespmem:s26], [sflag:$0x2], $0x2000, $0x38;
	[tilespmem:$0x1E6A0] =	vst v63  }
0x25: {  	s25 =	simm.s32 @!p1 $0x1C6A0  }
0x26: {  	[hbm4b:s13+s22] =	stream.linear.scatter @!p1 [tilespmem:s25], [sflag:$0x2], $0x2000, $0x38;
	[tilespmem:$0x1E6A0] =	vst v63  }
0x27: {  	s22 =	simm.s32 @!p4 $0x1C6A0  }
0x28: {  	[hbm4b:s15+s23] =	stream.linear.scatter @!p4 [tilespmem:s22], [sflag:$0x2], $0x2000, $0x38;
	[tilespmem:$0x1E6A0] =	vst v63  }
0x29: {  	s22 =	simm.s32 @p6 $0x1C6A0  }
0x2a: {  	[hbm4b:s16+s24] =	stream.linear.scatter @p6 [tilespmem:s22], [sflag:$0x2], $0x2000, $0x38;
	[tilespmem:$0x1E6A0] =	vst v63  }
0x2b: {  	s21 =	sadd.s32 $0x1, s21;
	s22 =	simm.s32 @p5 $0x2  }
0x2c: {  	p3 =	sne.s32 s21, s17;
	_ =	swait.ge @p5 [sflag:s22], $0x2000  }
.Ltmp1:
0x2d: {  	[sflag:s22] =	ssyncset.done @p5 $0x0;
	(pc) =	sbr.rel @!p3 .LBB2_14-.Ltmp1, $4  }
0x2e: {  	[sflag:s22] =	ssyncadd.s32 @p5 $0xFFFFE000  }
0x2f: {  	_ =	swait.ge @p5 [sflag:s22], $0x2000  }
0x30: {  	[sflag:s22] =	ssyncset.done @p5 $0x0  }
0x31: {  	[sflag:s22] =	ssyncadd.s32 @p5 $0xFFFFE000  }
.LBB2_1:
.Ltmp2:
0x32: {  	(pc) =	sbr.rel @p2 .LBB2_4-.Ltmp2, $4  }
0x33: {  	s22 =	simm.s32 @!p0 $0x0  }
0x34: {  	[tilespmem:s22], [sflag:$0x1] =	stream.linear.gather @!p0 [hbm4b:s4+s22], $0x186A0, $0x38;
	[tilespmem:$0x1E6A0] =	vst v63  }
0x35: {  	s22 =	simm.s32 @!p1 $0x0  }
0x36: {  	[tilespmem:s22], [sflag:$0x1] =	stream.linear.gather @!p1 [hbm4b:s5+s22], $0x186A0, $0x38;
	[tilespmem:$0x1E6A0] =	vst v63  }
.Ltmp3:
0x37: {  	(pc) =	sbr.rel @p4 .LBB2_5-.Ltmp3, $1  }
0x38: {  	_ =	sdelay $0x3  }
0x39: {  	s22 =	sld [smem:$0x7FC];
	_ =	sdelay $0x2  }
0x3a: {  	p3 =	seq.s32 s22, $0x1  }
.Ltmp4:
0x3b: {  	_ = 	snop;
	(pc) =	sbr.rel @p3 .LBB2_6-.Ltmp4, $4  }
.Ltmp5:
0x3c: {  	_ = 	snop;
	(pc) =	sbr.rel @!p3 .LBB2_9-.Ltmp5, $4  }
0x3d: {  	_ = 	snop  }
0x3e: {  	[tilespmem:s3], [sflag:$0x1] =	stream.linear.gather [hbm4b:s7+s3], $0x186A0, $0x38;
	[tilespmem:$0x1E6A0] =	vst v63  }
0x3f: {  	p6 =	por $0x0, $0x0;
	p5 =	por $0x0, $0x0  }
0x40: {  	_ = 	snop  }
.LBB2_4:
0x41: {  	s22 =	sld [smem:$0x7FC];
	_ =	sdelay $0x2  }
0x42: {  	p3 =	seq.s32 s22, $0x1  }
.Ltmp6:
0x43: {  	_ = 	snop;
	(pc) =	sbr.rel @p3 .LBB2_6-.Ltmp6, $4  }
.Ltmp7:
0x44: {  	_ = 	snop;
	(pc) =	sbr.rel @!p3 .LBB2_9-.Ltmp7, $4  }
0x45: {  	_ = 	snop  }
0x46: {  	[tilespmem:s3], [sflag:$0x1] =	stream.linear.gather [hbm4b:s6+s3], $0x186A0, $0x38;
	[tilespmem:$0x1E6A0] =	vst v63  }
0x47: {  	p5 =	por $0x0, $0x0;
	p6 =	por $0x1, $0x1  }
0x48: {  	_ = 	snop  }
.LBB2_5:
0x49: {  	s22 =	sld [smem:$0x7FD];
	_ =	sdelay $0x2  }
0x4a: {  	p3 =	seq.s32 s22, $0x1  }
.Ltmp8:
0x4b: {  	_ = 	snop;
	(pc) =	sbr.rel @p3 .LBB2_9-.Ltmp8, $2  }
0x4c: {  	_ =	sdelay $0x2  }
0x4d: {  	p6 =	por $0x0, $0x0;
	p5 =	por $0x0, $0x0  }
.LBB2_6:
0x4e: {  	[tilespmem:s18], [sflag:$0x3] =	stream.linear.gather [hbm4b:s1+s3], $0x2000, $0x38;
	[tilespmem:$0x1E6A0] =	vst v63  }
0x4f: {  	_ =	swait.ge [sflag:s19], $0x2000  }
0x50: {  	[sflag:s19] =	ssyncset.done $0x0  }
0x51: {  	[sflag:s19] =	ssyncadd.s32 $0xFFFFE000  }
0x52: {  	_ =	swait.ge [sflag:s20], $0x186A0  }
0x53: {  	[sflag:s20] =	ssyncset.done $0x0  }
0x54: {  	s22 =	simm.s32 $0x18720;
	[sflag:s20] =	ssyncadd.s32 $0xFFFE7960  }
0x55: {  	v0 =	vld [tilespmem:s22+$0x70]  }
0x56: {  	v1 =	vld [tilespmem:s22+$0xFFFFFF90]  }
0x57: {  	v2 =	vld [tilespmem:s22+$0xFFFFFFA0]  }
0x58: {  	v3 =	vld [tilespmem:s22+$0xFFFFFFB0]  }
0x59: {  	v4 =	vld [tilespmem:s22+$0xFFFFFFC0]  }
0x5a: {  	v5 =	vld [tilespmem:s22+$0xFFFFFFD0]  }
0x5b: {  	v6 =	vld [tilespmem:s22+$0xFFFFFFE0]  }
0x5c: {  	v7 =	vld [tilespmem:s22+$0xFFFFFFF0]  }
0x5d: {  	v8 =	vld [tilespmem:s22+$0x0]  }
0x5e: {  	v9 =	vld [tilespmem:s22+$0x10]  }
0x5f: {  	v10 =	vld [tilespmem:s22+$0x20]  }
0x60: {  	v11 =	vld [tilespmem:s22+$0x30]  }
0x61: {  	v12 =	vld [tilespmem:s22+$0x40]  }
0x62: {  	v13 =	vld [tilespmem:s22+$0x50]  }
0x63: {  	v14 =	vld [tilespmem:s22+$0x60]  }
0x64: {  	v15 =	vld [tilespmem:s22+$0xFFFFFF80]  }
0x65: {  	v0 =	vld.idx.msk [tilespmem:v0+s3+$0x0], $0xffff  }
0x66: {  	v1 =	vld.idx.msk [tilespmem:v1+s3+$0x0], $0xffff  }
0x67: {  	v2 =	vld.idx.msk [tilespmem:v2+s3+$0x0], $0xffff  }
0x68: {  	v3 =	vld.idx.msk [tilespmem:v3+s3+$0x0], $0xffff  }
0x69: {  	v4 =	vld.idx.msk [tilespmem:v4+s3+$0x0], $0xffff  }
0x6a: {  	s22 =	simm.s32 $0x1A720;
	v5 =	vld.idx.msk [tilespmem:v5+s3+$0x0], $0xffff  }
0x6b: {  	v6 =	vld.idx.msk [tilespmem:v6+s3+$0x0], $0xffff;
	[tilespmem:s22+$0x70] =	vst v0  }
0x6c: {  	v7 =	vld.idx.msk [tilespmem:v7+s3+$0x0], $0xffff;
	[tilespmem:s22+$0xFFFFFF90] =	vst v1  }
0x6d: {  	v15 =	vld.idx.msk [tilespmem:v15+s3+$0x0], $0xffff;
	[tilespmem:s22+$0xFFFFFFA0] =	vst v2  }
0x6e: {  	v8 =	vld.idx.msk [tilespmem:v8+s3+$0x0], $0xffff;
	[tilespmem:s22+$0xFFFFFFB0] =	vst v3  }
0x6f: {  	[tilespmem:s22+$0xFFFFFFC0] =	vst v4;
	v0 =	vld.idx.msk [tilespmem:v9+s3+$0x0], $0xffff  }
0x70: {  	[tilespmem:s22+$0xFFFFFFD0] =	vst v5;
	v1 =	vld.idx.msk [tilespmem:v10+s3+$0x0], $0xffff  }
0x71: {  	[tilespmem:s22+$0xFFFFFFE0] =	vst v6;
	v2 =	vld.idx.msk [tilespmem:v11+s3+$0x0], $0xffff  }
0x72: {  	[tilespmem:s22+$0xFFFFFFF0] =	vst v7;
	v3 =	vld.idx.msk [tilespmem:v12+s3+$0x0], $0xffff  }
0x73: {  	[tilespmem:s22+$0xFFFFFF80] =	vst v15;
	v4 =	vld.idx.msk [tilespmem:v13+s3+$0x0], $0xffff  }
0x74: {  	s23 =	simm.s32 $0x0;
	s24 =	simm.s32 $0x18820;
	[tilespmem:s22+$0x0] =	vst v8;
	v5 =	vld.idx.msk [tilespmem:v14+s3+$0x0], $0xffff  }
.LBB2_7:
0x75: {  	v6 =	vld [tilespmem:s24+$0x70];
	s23 =	sadd.s32 $0x10, s23;
	[tilespmem:s22+$0x10] =	vst v0  }
0x76: {  	v0 =	vld [tilespmem:s24+$0xFFFFFF90];
	p5 =	slt.u32 s23, $0x1F0;
	[tilespmem:s22+$0x20] =	vst v1  }
0x77: {  	v1 =	vld [tilespmem:s24+$0xFFFFFFA0];
	[tilespmem:s22+$0x30] =	vst v2  }
0x78: {  	v2 =	vld [tilespmem:s24+$0xFFFFFFB0];
	[tilespmem:s22+$0x40] =	vst v3  }
0x79: {  	v3 =	vld [tilespmem:s24+$0xFFFFFFC0];
	[tilespmem:s22+$0x50] =	vst v4  }
0x7a: {  	v4 =	vld [tilespmem:s24+$0xFFFFFFD0];
	[tilespmem:s22+$0x60] =	vst v5  }
0x7b: {  	v5 =	vld [tilespmem:s24+$0xFFFFFFE0]  }
0x7c: {  	v7 =	vld [tilespmem:s24+$0xFFFFFFF0]  }
0x7d: {  	v6 =	vld.idx.msk [tilespmem:v6+s3+$0x0], $0xffff  }
0x7e: {  	v8 =	vld [tilespmem:s24+$0x0]  }
0x7f: {  	v9 =	vld [tilespmem:s24+$0x10]  }
0x80: {  	v10 =	vld [tilespmem:s24+$0x20]  }
0x81: {  	v11 =	vld [tilespmem:s24+$0x30]  }
0x82: {  	s22 =	sadd.s32 $0x100, s22;
	v12 =	vld [tilespmem:s24+$0x40]  }
0x83: {  	v13 =	vld [tilespmem:s24+$0x50];
	[tilespmem:s22+$0x70] =	vst v6  }
0x84: {  	v6 =	vld [tilespmem:s24+$0x60]  }
0x85: {  	v14 =	vld [tilespmem:s24+$0xFFFFFF80]  }
0x86: {  	v0 =	vld.idx.msk [tilespmem:v0+s3+$0x0], $0xffff  }
0x87: {  	v1 =	vld.idx.msk [tilespmem:v1+s3+$0x0], $0xffff  }
0x88: {  	v2 =	vld.idx.msk [tilespmem:v2+s3+$0x0], $0xffff  }
0x89: {  	v3 =	vld.idx.msk [tilespmem:v3+s3+$0x0], $0xffff  }
0x8a: {  	v4 =	vld.idx.msk [tilespmem:v4+s3+$0x0], $0xffff  }
0x8b: {  	v5 =	vld.idx.msk [tilespmem:v5+s3+$0x0], $0xffff  }
0x8c: {  	[tilespmem:s22+$0xFFFFFF90] =	vst v0;
	v7 =	vld.idx.msk [tilespmem:v7+s3+$0x0], $0xffff  }
0x8d: {  	v14 =	vld.idx.msk [tilespmem:v14+s3+$0x0], $0xffff;
	[tilespmem:s22+$0xFFFFFFA0] =	vst v1  }
0x8e: {  	[tilespmem:s22+$0xFFFFFFB0] =	vst v2;
	v8 =	vld.idx.msk [tilespmem:v8+s3+$0x0], $0xffff  }
0x8f: {  	[tilespmem:s22+$0xFFFFFFC0] =	vst v3;
	v0 =	vld.idx.msk [tilespmem:v9+s3+$0x0], $0xffff  }
.Ltmp9:
0x90: {  	[tilespmem:s22+$0xFFFFFFD0] =	vst v4;
	v1 =	vld.idx.msk [tilespmem:v10+s3+$0x0], $0xffff;
	(pc) =	sbr.rel @p5 .LBB2_7-.Ltmp9, $4  }
0x91: {  	[tilespmem:s22+$0xFFFFFFE0] =	vst v5;
	v2 =	vld.idx.msk [tilespmem:v11+s3+$0x0], $0xffff  }
0x92: {  	[tilespmem:s22+$0xFFFFFFF0] =	vst v7;
	v3 =	vld.idx.msk [tilespmem:v12+s3+$0x0], $0xffff  }
0x93: {  	[tilespmem:s22+$0xFFFFFF80] =	vst v14;
	v4 =	vld.idx.msk [tilespmem:v13+s3+$0x0], $0xffff  }
0x94: {  	s24 =	sadd.s32 $0x100, s24;
	[tilespmem:s22+$0x0] =	vst v8;
	v5 =	vld.idx.msk [tilespmem:v6+s3+$0x0], $0xffff  }
0x95: {  	[tilespmem:s22+$0x10] =	vst v0  }
0x96: {  	[tilespmem:s22+$0x20] =	vst v1  }
0x97: {  	[tilespmem:s22+$0x30] =	vst v2  }
0x98: {  	[tilespmem:s22+$0x40] =	vst v3  }
0x99: {  	p3 =	por @!p0 $0x1, $0x1;
	p5 =	por $0x1, $0x1;
	[tilespmem:s22+$0x50] =	vst v4  }
0x9a: {  	s23 =	simm.s32 @!p0 $0x1A6A0;
	p5 =	por @!p0 p3, p3;
	[tilespmem:s22+$0x60] =	vst v5;
	s22 =	simm.s32 @!p0 $0x0  }
0x9b: {  	[hbm4b:s8+s22] =	stream.linear.scatter @!p0 [tilespmem:s23], [sflag:$0x2], $0x2000, $0x38;
	[tilespmem:$0x1E6A0] =	vst v63  }
.LBB2_9:
0x9c: {  	s22 =	simm.s32 @!p1 $0x0;
	s23 =	simm.s32 @!p1 $0x1A6A0  }
0x9d: {  	[hbm4b:s9+s22] =	stream.linear.scatter @!p1 [tilespmem:s23], [sflag:$0x2], $0x2000, $0x38;
	[tilespmem:$0x1E6A0] =	vst v63  }
.Ltmp10:
0x9e: {  	_ = 	snop;
	(pc) =	sbr.rel @!p5 .LBB2_13-.Ltmp10, $4  }
0x9f: {  	s24 =	simm.s32 @!p4 $0x1A6A0;
	s23 =	simm.s32 @!p4 $0x0  }
0xa0: {  	[hbm4b:s10+s23] =	stream.linear.scatter @!p4 [tilespmem:s24], [sflag:$0x2], $0x2000, $0x38;
	[tilespmem:$0x1E6A0] =	vst v63  }
0xa1: {  	s25 =	simm.s32 @p6 $0x1A6A0;
	s24 =	simm.s32 @p6 $0x0  }
0xa2: {  	[hbm4b:s11+s24] =	stream.linear.scatter @p6 [tilespmem:s25], [sflag:$0x2], $0x2000, $0x38;
	[tilespmem:$0x1E6A0] =	vst v63  }
0xa3: {  	[tilespmem:s18], [sflag:$0x3] =	stream.linear.gather [hbm4b:s12+s3], $0x2000, $0x38;
	[tilespmem:$0x1E6A0] =	vst v63  }
0xa4: {  	_ =	swait.ge [sflag:s19], $0x2000  }
0xa5: {  	[sflag:s19] =	ssyncset.done $0x0  }
0xa6: {  	s25 =	simm.s32 $0x18720;
	[sflag:s19] =	ssyncadd.s32 $0xFFFFE000  }
0xa7: {  	v0 =	vld [tilespmem:s25+$0x70]  }
0xa8: {  	v1 =	vld [tilespmem:s25+$0xFFFFFF90]  }
0xa9: {  	v2 =	vld [tilespmem:s25+$0xFFFFFFA0]  }
0xaa: {  	v3 =	vld [tilespmem:s25+$0xFFFFFFB0]  }
0xab: {  	v4 =	vld [tilespmem:s25+$0xFFFFFFC0]  }
0xac: {  	v5 =	vld [tilespmem:s25+$0xFFFFFFD0]  }
0xad: {  	v6 =	vld [tilespmem:s25+$0xFFFFFFE0]  }
0xae: {  	v7 =	vld [tilespmem:s25+$0xFFFFFFF0]  }
0xaf: {  	v8 =	vld [tilespmem:s25+$0x0]  }
0xb0: {  	v9 =	vld [tilespmem:s25+$0x10]  }
0xb1: {  	v10 =	vld [tilespmem:s25+$0x20]  }
0xb2: {  	v11 =	vld [tilespmem:s25+$0x30]  }
0xb3: {  	v12 =	vld [tilespmem:s25+$0x40]  }
0xb4: {  	v13 =	vld [tilespmem:s25+$0x50]  }
0xb5: {  	v14 =	vld [tilespmem:s25+$0x60]  }
0xb6: {  	v15 =	vld [tilespmem:s25+$0xFFFFFF80]  }
0xb7: {  	v0 =	vld.idx.msk [tilespmem:v0+s3+$0x0], $0xffff  }
0xb8: {  	v1 =	vld.idx.msk [tilespmem:v1+s3+$0x0], $0xffff  }
0xb9: {  	v2 =	vld.idx.msk [tilespmem:v2+s3+$0x0], $0xffff  }
0xba: {  	v3 =	vld.idx.msk [tilespmem:v3+s3+$0x0], $0xffff  }
0xbb: {  	v4 =	vld.idx.msk [tilespmem:v4+s3+$0x0], $0xffff  }
0xbc: {  	s25 =	simm.s32 $0x1C720;
	v5 =	vld.idx.msk [tilespmem:v5+s3+$0x0], $0xffff  }
0xbd: {  	v6 =	vld.idx.msk [tilespmem:v6+s3+$0x0], $0xffff;
	[tilespmem:s25+$0x70] =	vst v0  }
0xbe: {  	v7 =	vld.idx.msk [tilespmem:v7+s3+$0x0], $0xffff;
	[tilespmem:s25+$0xFFFFFF90] =	vst v1  }
0xbf: {  	v15 =	vld.idx.msk [tilespmem:v15+s3+$0x0], $0xffff;
	[tilespmem:s25+$0xFFFFFFA0] =	vst v2  }
0xc0: {  	v8 =	vld.idx.msk [tilespmem:v8+s3+$0x0], $0xffff;
	[tilespmem:s25+$0xFFFFFFB0] =	vst v3  }
0xc1: {  	[tilespmem:s25+$0xFFFFFFC0] =	vst v4;
	v0 =	vld.idx.msk [tilespmem:v9+s3+$0x0], $0xffff  }
0xc2: {  	[tilespmem:s25+$0xFFFFFFD0] =	vst v5;
	v1 =	vld.idx.msk [tilespmem:v10+s3+$0x0], $0xffff  }
0xc3: {  	[tilespmem:s25+$0xFFFFFFE0] =	vst v6;
	v2 =	vld.idx.msk [tilespmem:v11+s3+$0x0], $0xffff  }
0xc4: {  	[tilespmem:s25+$0xFFFFFFF0] =	vst v7;
	v3 =	vld.idx.msk [tilespmem:v12+s3+$0x0], $0xffff  }
0xc5: {  	[tilespmem:s25+$0xFFFFFF80] =	vst v15;
	v4 =	vld.idx.msk [tilespmem:v13+s3+$0x0], $0xffff  }
0xc6: {  	s26 =	simm.s32 $0x0;
	s28 =	simm.s32 $0x18820;
	[tilespmem:s25+$0x0] =	vst v8;
	v5 =	vld.idx.msk [tilespmem:v14+s3+$0x0], $0xffff  }
.LBB2_11:
0xc7: {  	v6 =	vld [tilespmem:s28+$0x70];
	s26 =	sadd.s32 $0x10, s26;
	[tilespmem:s25+$0x10] =	vst v0  }
0xc8: {  	v0 =	vld [tilespmem:s28+$0xFFFFFF90];
	p3 =	slt.u32 s26, $0x1F0;
	[tilespmem:s25+$0x20] =	vst v1  }
0xc9: {  	v1 =	vld [tilespmem:s28+$0xFFFFFFA0];
	[tilespmem:s25+$0x30] =	vst v2  }
0xca: {  	v2 =	vld [tilespmem:s28+$0xFFFFFFB0];
	[tilespmem:s25+$0x40] =	vst v3  }
0xcb: {  	v3 =	vld [tilespmem:s28+$0xFFFFFFC0];
	[tilespmem:s25+$0x50] =	vst v4  }
0xcc: {  	v4 =	vld [tilespmem:s28+$0xFFFFFFD0];
	[tilespmem:s25+$0x60] =	vst v5  }
0xcd: {  	v5 =	vld [tilespmem:s28+$0xFFFFFFE0]  }
0xce: {  	v7 =	vld [tilespmem:s28+$0xFFFFFFF0]  }
0xcf: {  	v6 =	vld.idx.msk [tilespmem:v6+s3+$0x0], $0xffff  }
0xd0: {  	v8 =	vld [tilespmem:s28+$0x0]  }
0xd1: {  	v9 =	vld [tilespmem:s28+$0x10]  }
0xd2: {  	v10 =	vld [tilespmem:s28+$0x20]  }
0xd3: {  	v11 =	vld [tilespmem:s28+$0x30]  }
0xd4: {  	s25 =	sadd.s32 $0x100, s25;
	v12 =	vld [tilespmem:s28+$0x40]  }
0xd5: {  	v13 =	vld [tilespmem:s28+$0x50];
	[tilespmem:s25+$0x70] =	vst v6  }
0xd6: {  	v6 =	vld [tilespmem:s28+$0x60]  }
0xd7: {  	v14 =	vld [tilespmem:s28+$0xFFFFFF80]  }
0xd8: {  	v0 =	vld.idx.msk [tilespmem:v0+s3+$0x0], $0xffff  }
0xd9: {  	v1 =	vld.idx.msk [tilespmem:v1+s3+$0x0], $0xffff  }
0xda: {  	v2 =	vld.idx.msk [tilespmem:v2+s3+$0x0], $0xffff  }
0xdb: {  	v3 =	vld.idx.msk [tilespmem:v3+s3+$0x0], $0xffff  }
0xdc: {  	v4 =	vld.idx.msk [tilespmem:v4+s3+$0x0], $0xffff  }
0xdd: {  	v5 =	vld.idx.msk [tilespmem:v5+s3+$0x0], $0xffff  }
0xde: {  	[tilespmem:s25+$0xFFFFFF90] =	vst v0;
	v7 =	vld.idx.msk [tilespmem:v7+s3+$0x0], $0xffff  }
0xdf: {  	v14 =	vld.idx.msk [tilespmem:v14+s3+$0x0], $0xffff;
	[tilespmem:s25+$0xFFFFFFA0] =	vst v1  }
0xe0: {  	[tilespmem:s25+$0xFFFFFFB0] =	vst v2;
	v8 =	vld.idx.msk [tilespmem:v8+s3+$0x0], $0xffff  }
0xe1: {  	[tilespmem:s25+$0xFFFFFFC0] =	vst v3;
	v0 =	vld.idx.msk [tilespmem:v9+s3+$0x0], $0xffff  }
.Ltmp11:
0xe2: {  	[tilespmem:s25+$0xFFFFFFD0] =	vst v4;
	v1 =	vld.idx.msk [tilespmem:v10+s3+$0x0], $0xffff;
	(pc) =	sbr.rel @p3 .LBB2_11-.Ltmp11, $4  }
0xe3: {  	[tilespmem:s25+$0xFFFFFFE0] =	vst v5;
	v2 =	vld.idx.msk [tilespmem:v11+s3+$0x0], $0xffff  }
0xe4: {  	[tilespmem:s25+$0xFFFFFFF0] =	vst v7;
	v3 =	vld.idx.msk [tilespmem:v12+s3+$0x0], $0xffff  }
0xe5: {  	[tilespmem:s25+$0xFFFFFF80] =	vst v14;
	v4 =	vld.idx.msk [tilespmem:v13+s3+$0x0], $0xffff  }
0xe6: {  	s28 =	sadd.s32 $0x100, s28;
	[tilespmem:s25+$0x0] =	vst v8;
	v5 =	vld.idx.msk [tilespmem:v6+s3+$0x0], $0xffff  }
.Ltmp12:
0xe7: {  	_ = 	snop;
	(pc) =	sbr.rel .LBB2_12-.Ltmp12, $1  }
0xe8: {  	_ =	sdelay $0x3  }
.LBB2_14:
0xe9: {  	_ =	sfence.sel $0x180000  }
0xea: {  	[bflag:$0x0] =	sbarrier.arrive $0xFFFF  }
0xeb: {  	p0 =	sne.s32 s0, $0x0;
	_ =	strace $0x90000047  }
0xec: {  	s0 =	sadd.s32 @!p0 $0x100000, s2;
	[bflag:$0x2] =	sbarrier.arrive $0xFFFF  }
0xed: {  	[sflag:s0] =	ssyncadd.tile.s32 @!p0 $0x1;
	_ =	shalt  }
.Lfunc_end2:
_tile_overlayer_lowered:
.L_overlay_start_2:
0xee: {  	(tag) =	ssettag $0x2  }
0xef: {  	s0 =	rddreg [dreg:$0x0];
	s2 =	stileid.u32  }
0xf0: {  	s1 =	rddreg [dreg:$0x1];
	p0 =	sne.s32 s2, $0x0  }
0xf1: {  	s3 =	rddreg [dreg:$0x2];
	[bflag:$0x3] =	sbarrier.arrive $0xFFFF;
	s2 =	simm.s32 @!p0 $0x1C03  }
0xf2: {  	[timem:s3], [sflag:s2] =	dma.local @!p0 [hbm:s0], s1  }
0xf3: {  	s0 =	simm.s32 @!p0 $0x3  }
0xf4: {  	_ =	swait.ge @!p0 [sflag:s0], s1  }
0xf5: {  	s1 =	ssub.s32 @!p0 $0x0, s1;
	[sflag:s0] =	ssyncset.done @!p0 $0x0  }
0xf6: {  	[sflag:s0] =	ssyncadd.s32 @!p0 s1  }
0xf7: {  	[bflag:$0x3] =	sbarrier.arrive $0xFFFF  }
0xf8: {  	_ =	shalt  }

</sc_bundles>
